<compile_context>
chip_gen: v7x
topology: tpu7x:2x2x1
jax: 0.10.2.dev20260603
libtpu: 0.0.44.dev20260713+nightly
codegen_flags: <defaults>
</compile_context>

<pallas_src>
import jax
import jax.numpy as jnp
from jax import lax
from jax.experimental import pallas as pl
from jax.experimental.pallas import tpu as pltpu
from jax.experimental.pallas import tpu_sc as plsc

_H = 128
_O = 128
_L = 16
_NW = _O // _L


def _sc_body(idx_hbm, table_hbm, w_hbm, b_hbm, out_hbm,
             idx_v, row_v, w_v, b_v, acc_v, sem):
    base = lax.axis_index("s") * _L
    cpw = pltpu.async_copy(w_hbm.at[pl.ds(base, _L)], w_v, sem)
    cpb = pltpu.async_copy(b_hbm.at[pl.ds(base, _L)], b_v, sem)
    pltpu.sync_copy(idx_hbm, idx_v)
    cpr = pltpu.async_copy(table_hbm.at[idx_v], row_v, sem)
    cpw.wait()
    cpb.wait()
    cpr.wait()
    rs = [row_v[0, pl.ds(kb * _L, _L)] for kb in range(_H // _L)]
    lane = lax.iota(jnp.int32, _L)

    def jbody(jl, out):
        acc = rs[0] * w_v[jl, pl.ds(0, _L)]
        for kb in range(1, _H // _L):
            acc = acc + rs[kb] * w_v[jl, pl.ds(kb * _L, _L)]
        parts = [acc[l] for l in range(_L)]
        while len(parts) > 1:
            parts = [parts[i] + parts[i + 1]
                     for i in range(0, len(parts), 2)]
        return jnp.where(lane == jl, out + parts[0], out)

    acc_v[...] = lax.fori_loop(0, _L, jbody, b_v[...])
    pltpu.sync_copy(acc_v, out_hbm.at[pl.ds(base, _L)])


def kernel(indices, table, W, b):
    out = pl.kernel(
        _sc_body,
        out_type=jax.ShapeDtypeStruct((_O,), jnp.float32),
        mesh=plsc.VectorSubcoreMesh(core_axis_name="c", subcore_axis_name="s",
                                    num_cores=1, num_subcores=_NW),
        scratch_types=[
            pltpu.VMEM((1,), jnp.int32),
            pltpu.VMEM((1, _H), jnp.float32),
            pltpu.VMEM((_L, _H), jnp.float32),
            pltpu.VMEM((_L,), jnp.float32),
            pltpu.VMEM((_L,), jnp.float32),
            pltpu.SemaphoreType.DMA,
        ],
    )(indices.astype(jnp.int32), table, W, b)
    return out.reshape(1, _O)

# --- scband reference (transcript-rebuilt; emitter-appended) ---
"""Pipeline reference for scband-learner-m-15728170238450 (READ-ONLY COPY).

The authoritative reference and input builder live on the scoring server;
editing this copy changes nothing except your own understanding.
"""

import jax, jax.numpy as jnp
import numpy as np

NUM_ELEMENTS = 1000000
NUM_HIDDEN = 128
NUM_OUT = 128


def setup_inputs(seed: int = 0) -> dict:
    key = jax.random.key(seed)
    k_idx, k_tab, k_w, k_b = jax.random.split(key, 4)
    indices = jax.random.randint(k_idx, (1,), 0, NUM_ELEMENTS, dtype=jnp.int64 if jax.config.jax_enable_x64 else jnp.int32)
    table = jax.random.normal(k_tab, (NUM_ELEMENTS, NUM_HIDDEN), dtype=jnp.float32) * 0.02
    # nn.Linear(num_hidden, num_out): weight [num_out, num_hidden], bias [num_out]
    bound = 1.0 / np.sqrt(NUM_HIDDEN)
    W = jax.random.uniform(k_w, (NUM_OUT, NUM_HIDDEN), minval=-bound, maxval=bound, dtype=jnp.float32)
    b = jax.random.uniform(k_b, (NUM_OUT,), minval=-bound, maxval=bound, dtype=jnp.float32)
    return {"indices": indices, "table": table, "W": W, "b": b}


def reference(indices, table, W, b):
    # embed = self.embedding(inputs[0]).view(1, -1)
    embed = jnp.take(table, indices, axis=0).reshape(1, -1)
    # output = self.linear(embed)
    output = embed @ W.T + b
    return output

if __name__ == "__main__":
    import jax
    _d = setup_inputs()
    print(jax.jit(kernel)(*tuple(_d.values())))

</pallas_src>

<mosaic_0001>
#map = affine_map<(d0, d1) -> (0)>
#map1 = affine_map<(d0, d1) -> (0, 0)>
module attributes {stable_mosaic.version = 14 : i64} {
  func.func @_sc_body(%arg0: i32, %arg1: i32, %arg2: memref<1xi32, #tpu.memory_space<hbm>>, %arg3: memref<1000000x128xf32, #tpu.memory_space<hbm>>, %arg4: memref<128x128xf32, #tpu.memory_space<hbm>>, %arg5: memref<128xf32, #tpu.memory_space<hbm>>, %arg6: memref<128xf32, #tpu.memory_space<hbm>>, %arg7: memref<1xi32, #tpu.memory_space<vmem>>, %arg8: memref<1x128xf32, #tpu.memory_space<vmem>>, %arg9: memref<16x128xf32, #tpu.memory_space<vmem>>, %arg10: memref<16xf32, #tpu.memory_space<vmem>>, %arg11: memref<16xf32, #tpu.memory_space<vmem>>, %arg12: memref<!tpu.dma_semaphore, #tpu.memory_space<semaphore_mem>>) attributes {dimension_semantics = [#tpu.dimension_semantics<core_parallel>, #tpu.dimension_semantics<subcore_parallel>], iteration_bounds = array<i64: 1, 8>, scalar_prefetch = 0 : i64, scratch_operands = 6 : i64, tpu.core_type = #tpu.core_type<sc_vector_subcore>, window_params = [{transform_indices = #map}, {transform_indices = #map1}, {transform_indices = #map1}, {transform_indices = #map}, {transform_indices = #map}]} {
    %mul3A = arith.constant 16 : i32
    %mul3A_0 = arith.muli %arg1, %mul3A : i32
    %dma_start3A = arith.constant 0 : i32
    %dma_start3A_1 = tpu.memref_slice %arg4[%mul3A_0, %dma_start3A] : memref<128x128xf32, #tpu.memory_space<hbm>> -> memref<16x128xf32, #tpu.memory_space<hbm>>
    %dma_start3A_2 = arith.constant 0 : i32
    %dma_start3A_3 = tpu.memref_slice %arg4[%mul3A_0, %dma_start3A_2] : memref<128x128xf32, #tpu.memory_space<hbm>> -> memref<16x128xf32, #tpu.memory_space<hbm>>
    tpu.enqueue_dma source(%dma_start3A_3 : memref<16x128xf32, #tpu.memory_space<hbm>>) target(%arg9 : memref<16x128xf32, #tpu.memory_space<vmem>>) target_semaphore(%arg12 : memref<!tpu.dma_semaphore, #tpu.memory_space<semaphore_mem>>)
    %dma_start3A_4 = tpu.memref_slice %arg5[%mul3A_0] : memref<128xf32, #tpu.memory_space<hbm>> -> memref<16xf32, #tpu.memory_space<hbm>>
    %dma_start3A_5 = tpu.memref_slice %arg5[%mul3A_0] : memref<128xf32, #tpu.memory_space<hbm>> -> memref<16xf32, #tpu.memory_space<hbm>>
    tpu.enqueue_dma source(%dma_start3A_5 : memref<16xf32, #tpu.memory_space<hbm>>) target(%arg10 : memref<16xf32, #tpu.memory_space<vmem>>) target_semaphore(%arg12 : memref<!tpu.dma_semaphore, #tpu.memory_space<semaphore_mem>>)
    "tpu.region"() ({
      %run_scoped3A = tpu.sem_alloc : memref<!tpu.dma_semaphore, #tpu.memory_space<semaphore_mem>>
      tpu.enqueue_dma source(%arg2 : memref<1xi32, #tpu.memory_space<hbm>>) target(%arg7 : memref<1xi32, #tpu.memory_space<vmem>>) target_semaphore(%run_scoped3A : memref<!tpu.dma_semaphore, #tpu.memory_space<semaphore_mem>>)
      tpu.wait_dma2 semaphore(%run_scoped3A : memref<!tpu.dma_semaphore, #tpu.memory_space<semaphore_mem>>) src(%arg2 : memref<1xi32, #tpu.memory_space<hbm>>) dst(%arg7 : memref<1xi32, #tpu.memory_space<vmem>>)
      tpu.yield
    }) : () -> ()
    %dma_start3A_6 = arith.constant 0 : i32
    %dma_start3A_7 = arith.constant 0 : i32
    %dma_start3A_8 = tpu.memref_slice %arg3[%dma_start3A_6, %dma_start3A_7] : memref<1000000x128xf32, #tpu.memory_space<hbm>> -> memref<1000000x128xf32, #tpu.memory_space<hbm>>
    tpu.enqueue_indirect_dma source(%dma_start3A_8 : memref<1000000x128xf32, #tpu.memory_space<hbm>>) target(%arg8 : memref<1x128xf32, #tpu.memory_space<vmem>>) offsets(%arg7 : memref<1xi32, #tpu.memory_space<vmem>>) semaphore(%arg12 : memref<!tpu.dma_semaphore, #tpu.memory_space<semaphore_mem>>)
    %dma_wait3A = arith.constant 0 : i32
    %dma_wait3A_9 = tpu.memref_slice %arg4[%mul3A_0, %dma_wait3A] : memref<128x128xf32, #tpu.memory_space<hbm>> -> memref<16x128xf32, #tpu.memory_space<hbm>>
    %dma_wait3A_10 = arith.constant 0 : i32
    %dma_wait3A_11 = tpu.memref_slice %arg4[%mul3A_0, %dma_wait3A_10] : memref<128x128xf32, #tpu.memory_space<hbm>> -> memref<16x128xf32, #tpu.memory_space<hbm>>
    tpu.wait_dma2 semaphore(%arg12 : memref<!tpu.dma_semaphore, #tpu.memory_space<semaphore_mem>>) src(%dma_wait3A_11 : memref<16x128xf32, #tpu.memory_space<hbm>>) dst(%arg9 : memref<16x128xf32, #tpu.memory_space<vmem>>)
    %dma_wait3A_12 = tpu.memref_slice %arg5[%mul3A_0] : memref<128xf32, #tpu.memory_space<hbm>> -> memref<16xf32, #tpu.memory_space<hbm>>
    %dma_wait3A_13 = tpu.memref_slice %arg5[%mul3A_0] : memref<128xf32, #tpu.memory_space<hbm>> -> memref<16xf32, #tpu.memory_space<hbm>>
    tpu.wait_dma2 semaphore(%arg12 : memref<!tpu.dma_semaphore, #tpu.memory_space<semaphore_mem>>) src(%dma_wait3A_13 : memref<16xf32, #tpu.memory_space<hbm>>) dst(%arg10 : memref<16xf32, #tpu.memory_space<vmem>>)
    %dma_wait3A_14 = arith.constant 0 : i32
    %dma_wait3A_15 = arith.constant 0 : i32
    %dma_wait3A_16 = tpu.memref_slice %arg3[%dma_wait3A_14, %dma_wait3A_15] : memref<1000000x128xf32, #tpu.memory_space<hbm>> -> memref<1000000x128xf32, #tpu.memory_space<hbm>>
    tpu.wait_indirect_dma semaphore(%arg12 : memref<!tpu.dma_semaphore, #tpu.memory_space<semaphore_mem>>) src(%dma_wait3A_16 : memref<1000000x128xf32, #tpu.memory_space<hbm>>) dst(%arg8 : memref<1x128xf32, #tpu.memory_space<vmem>>)
    %get3A = arith.constant 0 : i32
    %get3A_17 = arith.index_cast %get3A : i32 to index
    %get3A_18 = arith.constant 0 : index
    %get3A_19 = tpu.vector_load %arg8[%get3A_17, %get3A_18] {strides = array<i32>} : memref<1x128xf32, #tpu.memory_space<vmem>>, vector<1x16xf32>,
    %get3A_20 = vector.shape_cast %get3A_19 : vector<1x16xf32> to vector<16xf32>
    %get3A_21 = arith.constant 0 : i32
    %get3A_22 = arith.index_cast %get3A_21 : i32 to index
    %get3A_23 = arith.constant 16 : index
    %get3A_24 = tpu.vector_load %arg8[%get3A_22, %get3A_23] {strides = array<i32>} : memref<1x128xf32, #tpu.memory_space<vmem>>, vector<1x16xf32>,
    %get3A_25 = vector.shape_cast %get3A_24 : vector<1x16xf32> to vector<16xf32>
    %get3A_26 = arith.constant 0 : i32
    %get3A_27 = arith.index_cast %get3A_26 : i32 to index
    %get3A_28 = arith.constant 32 : index
    %get3A_29 = tpu.vector_load %arg8[%get3A_27, %get3A_28] {strides = array<i32>} : memref<1x128xf32, #tpu.memory_space<vmem>>, vector<1x16xf32>,
    %get3A_30 = vector.shape_cast %get3A_29 : vector<1x16xf32> to vector<16xf32>
    %get3A_31 = arith.constant 0 : i32
    %get3A_32 = arith.index_cast %get3A_31 : i32 to index
    %get3A_33 = arith.constant 48 : index
    %get3A_34 = tpu.vector_load %arg8[%get3A_32, %get3A_33] {strides = array<i32>} : memref<1x128xf32, #tpu.memory_space<vmem>>, vector<1x16xf32>,
    %get3A_35 = vector.shape_cast %get3A_34 : vector<1x16xf32> to vector<16xf32>
    %get3A_36 = arith.constant 0 : i32
    %get3A_37 = arith.index_cast %get3A_36 : i32 to index
    %get3A_38 = arith.constant 64 : index
    %get3A_39 = tpu.vector_load %arg8[%get3A_37, %get3A_38] {strides = array<i32>} : memref<1x128xf32, #tpu.memory_space<vmem>>, vector<1x16xf32>,
    %get3A_40 = vector.shape_cast %get3A_39 : vector<1x16xf32> to vector<16xf32>
    %get3A_41 = arith.constant 0 : i32
    %get3A_42 = arith.index_cast %get3A_41 : i32 to index
    %get3A_43 = arith.constant 80 : index
    %get3A_44 = tpu.vector_load %arg8[%get3A_42, %get3A_43] {strides = array<i32>} : memref<1x128xf32, #tpu.memory_space<vmem>>, vector<1x16xf32>,
    %get3A_45 = vector.shape_cast %get3A_44 : vector<1x16xf32> to vector<16xf32>
    %get3A_46 = arith.constant 0 : i32
    %get3A_47 = arith.index_cast %get3A_46 : i32 to index
    %get3A_48 = arith.constant 96 : index
    %get3A_49 = tpu.vector_load %arg8[%get3A_47, %get3A_48] {strides = array<i32>} : memref<1x128xf32, #tpu.memory_space<vmem>>, vector<1x16xf32>,
    %get3A_50 = vector.shape_cast %get3A_49 : vector<1x16xf32> to vector<16xf32>
    %get3A_51 = arith.constant 0 : i32
    %get3A_52 = arith.index_cast %get3A_51 : i32 to index
    %get3A_53 = arith.constant 112 : index
    %get3A_54 = tpu.vector_load %arg8[%get3A_52, %get3A_53] {strides = array<i32>} : memref<1x128xf32, #tpu.memory_space<vmem>>, vector<1x16xf32>,
    %get3A_55 = vector.shape_cast %get3A_54 : vector<1x16xf32> to vector<16xf32>
    %iota3A = tpu.iota {dimensions = array<i32: 0>} : vector<16xi32>
    %get3A_56 = arith.constant 0 : index
    %get3A_57 = tpu.vector_load %arg10[%get3A_56] {strides = array<i32>} : memref<16xf32, #tpu.memory_space<vmem>>, vector<16xf32>,
    %get3A_58 = vector.shape_cast %get3A_57 : vector<16xf32> to vector<16xf32>
    %scan3A = arith.constant 0 : i32
    %scan3A_59 = arith.constant 16 : i32
    %scan3A_60 = arith.addi %scan3A, %scan3A_59 : i32
    %scan3A_61 = arith.constant 1 : i32
    %scan3A_62 = scf.for %scan3A_67 = %scan3A to %scan3A_60 step %scan3A_61 iter_args(%scan3A_68 = %get3A_58) -> (vector<16xf32>)  : i32 {
      %get3A_69 = arith.index_cast %scan3A_67 : i32 to index
      %get3A_70 = arith.constant 0 : index
      %get3A_71 = tpu.vector_load %arg9[%get3A_69, %get3A_70] {strides = array<i32>} : memref<16x128xf32, #tpu.memory_space<vmem>>, vector<1x16xf32>,
      %get3A_72 = vector.shape_cast %get3A_71 : vector<1x16xf32> to vector<16xf32>
      %mul3A_73 = arith.mulf %get3A_20, %get3A_72 : vector<16xf32>
      %get3A_74 = arith.index_cast %scan3A_67 : i32 to index
      %get3A_75 = arith.constant 16 : index
      %get3A_76 = tpu.vector_load %arg9[%get3A_74, %get3A_75] {strides = array<i32>} : memref<16x128xf32, #tpu.memory_space<vmem>>, vector<1x16xf32>,
      %get3A_77 = vector.shape_cast %get3A_76 : vector<1x16xf32> to vector<16xf32>
      %mul3A_78 = arith.mulf %get3A_25, %get3A_77 : vector<16xf32>
      %add3A = arith.addf %mul3A_73, %mul3A_78 : vector<16xf32>
      %get3A_79 = arith.index_cast %scan3A_67 : i32 to index
      %get3A_80 = arith.constant 32 : index
      %get3A_81 = tpu.vector_load %arg9[%get3A_79, %get3A_80] {strides = array<i32>} : memref<16x128xf32, #tpu.memory_space<vmem>>, vector<1x16xf32>,
      %get3A_82 = vector.shape_cast %get3A_81 : vector<1x16xf32> to vector<16xf32>
      %mul3A_83 = arith.mulf %get3A_30, %get3A_82 : vector<16xf32>
      %add3A_84 = arith.addf %add3A, %mul3A_83 : vector<16xf32>
      %get3A_85 = arith.index_cast %scan3A_67 : i32 to index
      %get3A_86 = arith.constant 48 : index
      %get3A_87 = tpu.vector_load %arg9[%get3A_85, %get3A_86] {strides = array<i32>} : memref<16x128xf32, #tpu.memory_space<vmem>>, vector<1x16xf32>,
      %get3A_88 = vector.shape_cast %get3A_87 : vector<1x16xf32> to vector<16xf32>
      %mul3A_89 = arith.mulf %get3A_35, %get3A_88 : vector<16xf32>
      %add3A_90 = arith.addf %add3A_84, %mul3A_89 : vector<16xf32>
      %get3A_91 = arith.index_cast %scan3A_67 : i32 to index
      %get3A_92 = arith.constant 64 : index
      %get3A_93 = tpu.vector_load %arg9[%get3A_91, %get3A_92] {strides = array<i32>} : memref<16x128xf32, #tpu.memory_space<vmem>>, vector<1x16xf32>,
      %get3A_94 = vector.shape_cast %get3A_93 : vector<1x16xf32> to vector<16xf32>
      %mul3A_95 = arith.mulf %get3A_40, %get3A_94 : vector<16xf32>
      %add3A_96 = arith.addf %add3A_90, %mul3A_95 : vector<16xf32>
      %get3A_97 = arith.index_cast %scan3A_67 : i32 to index
      %get3A_98 = arith.constant 80 : index
      %get3A_99 = tpu.vector_load %arg9[%get3A_97, %get3A_98] {strides = array<i32>} : memref<16x128xf32, #tpu.memory_space<vmem>>, vector<1x16xf32>,
      %get3A_100 = vector.shape_cast %get3A_99 : vector<1x16xf32> to vector<16xf32>
      %mul3A_101 = arith.mulf %get3A_45, %get3A_100 : vector<16xf32>
      %add3A_102 = arith.addf %add3A_96, %mul3A_101 : vector<16xf32>
      %get3A_103 = arith.index_cast %scan3A_67 : i32 to index
      %get3A_104 = arith.constant 96 : index
      %get3A_105 = tpu.vector_load %arg9[%get3A_103, %get3A_104] {strides = array<i32>} : memref<16x128xf32, #tpu.memory_space<vmem>>, vector<1x16xf32>,
      %get3A_106 = vector.shape_cast %get3A_105 : vector<1x16xf32> to vector<16xf32>
      %mul3A_107 = arith.mulf %get3A_50, %get3A_106 : vector<16xf32>
      %add3A_108 = arith.addf %add3A_102, %mul3A_107 : vector<16xf32>
      %get3A_109 = arith.index_cast %scan3A_67 : i32 to index
      %get3A_110 = arith.constant 112 : index
      %get3A_111 = tpu.vector_load %arg9[%get3A_109, %get3A_110] {strides = array<i32>} : memref<16x128xf32, #tpu.memory_space<vmem>>, vector<1x16xf32>,
      %get3A_112 = vector.shape_cast %get3A_111 : vector<1x16xf32> to vector<16xf32>
      %mul3A_113 = arith.mulf %get3A_55, %get3A_112 : vector<16xf32>
      %add3A_114 = arith.addf %add3A_108, %mul3A_113 : vector<16xf32>
      %slice3A = vector.extract_strided_slice %add3A_114 {offsets = [0], sizes = [1], strides = [1]} : vector<16xf32> to vector<1xf32>
      %squeeze3A = vector.extract %slice3A[0] : f32 from vector<1xf32>
      %slice3A_115 = vector.extract_strided_slice %add3A_114 {offsets = [1], sizes = [1], strides = [1]} : vector<16xf32> to vector<1xf32>
      %squeeze3A_116 = vector.extract %slice3A_115[0] : f32 from vector<1xf32>
      %slice3A_117 = vector.extract_strided_slice %add3A_114 {offsets = [2], sizes = [1], strides = [1]} : vector<16xf32> to vector<1xf32>
      %squeeze3A_118 = vector.extract %slice3A_117[0] : f32 from vector<1xf32>
      %slice3A_119 = vector.extract_strided_slice %add3A_114 {offsets = [3], sizes = [1], strides = [1]} : vector<16xf32> to vector<1xf32>
      %squeeze3A_120 = vector.extract %slice3A_119[0] : f32 from vector<1xf32>
      %slice3A_121 = vector.extract_strided_slice %add3A_114 {offsets = [4], sizes = [1], strides = [1]} : vector<16xf32> to vector<1xf32>
      %squeeze3A_122 = vector.extract %slice3A_121[0] : f32 from vector<1xf32>
      %slice3A_123 = vector.extract_strided_slice %add3A_114 {offsets = [5], sizes = [1], strides = [1]} : vector<16xf32> to vector<1xf32>
      %squeeze3A_124 = vector.extract %slice3A_123[0] : f32 from vector<1xf32>
      %slice3A_125 = vector.extract_strided_slice %add3A_114 {offsets = [6], sizes = [1], strides = [1]} : vector<16xf32> to vector<1xf32>
      %squeeze3A_126 = vector.extract %slice3A_125[0] : f32 from vector<1xf32>
      %slice3A_127 = vector.extract_strided_slice %add3A_114 {offsets = [7], sizes = [1], strides = [1]} : vector<16xf32> to vector<1xf32>
      %squeeze3A_128 = vector.extract %slice3A_127[0] : f32 from vector<1xf32>
      %slice3A_129 = vector.extract_strided_slice %add3A_114 {offsets = [8], sizes = [1], strides = [1]} : vector<16xf32> to vector<1xf32>
      %squeeze3A_130 = vector.extract %slice3A_129[0] : f32 from vector<1xf32>
      %slice3A_131 = vector.extract_strided_slice %add3A_114 {offsets = [9], sizes = [1], strides = [1]} : vector<16xf32> to vector<1xf32>
      %squeeze3A_132 = vector.extract %slice3A_131[0] : f32 from vector<1xf32>
      %slice3A_133 = vector.extract_strided_slice %add3A_114 {offsets = [10], sizes = [1], strides = [1]} : vector<16xf32> to vector<1xf32>
      %squeeze3A_134 = vector.extract %slice3A_133[0] : f32 from vector<1xf32>
      %slice3A_135 = vector.extract_strided_slice %add3A_114 {offsets = [11], sizes = [1], strides = [1]} : vector<16xf32> to vector<1xf32>
      %squeeze3A_136 = vector.extract %slice3A_135[0] : f32 from vector<1xf32>
      %slice3A_137 = vector.extract_strided_slice %add3A_114 {offsets = [12], sizes = [1], strides = [1]} : vector<16xf32> to vector<1xf32>
      %squeeze3A_138 = vector.extract %slice3A_137[0] : f32 from vector<1xf32>
      %slice3A_139 = vector.extract_strided_slice %add3A_114 {offsets = [13], sizes = [1], strides = [1]} : vector<16xf32> to vector<1xf32>
      %squeeze3A_140 = vector.extract %slice3A_139[0] : f32 from vector<1xf32>
      %slice3A_141 = vector.extract_strided_slice %add3A_114 {offsets = [14], sizes = [1], strides = [1]} : vector<16xf32> to vector<1xf32>
      %squeeze3A_142 = vector.extract %slice3A_141[0] : f32 from vector<1xf32>
      %slice3A_143 = vector.extract_strided_slice %add3A_114 {offsets = [15], sizes = [1], strides = [1]} : vector<16xf32> to vector<1xf32>
      %squeeze3A_144 = vector.extract %slice3A_143[0] : f32 from vector<1xf32>
      %add3A_145 = arith.addf %squeeze3A, %squeeze3A_116 : f32
      %add3A_146 = arith.addf %squeeze3A_118, %squeeze3A_120 : f32
      %add3A_147 = arith.addf %squeeze3A_122, %squeeze3A_124 : f32
      %add3A_148 = arith.addf %squeeze3A_126, %squeeze3A_128 : f32
      %add3A_149 = arith.addf %squeeze3A_130, %squeeze3A_132 : f32
      %add3A_150 = arith.addf %squeeze3A_134, %squeeze3A_136 : f32
      %add3A_151 = arith.addf %squeeze3A_138, %squeeze3A_140 : f32
      %add3A_152 = arith.addf %squeeze3A_142, %squeeze3A_144 : f32
      %add3A_153 = arith.addf %add3A_145, %add3A_146 : f32
      %add3A_154 = arith.addf %add3A_147, %add3A_148 : f32
      %add3A_155 = arith.addf %add3A_149, %add3A_150 : f32
      %add3A_156 = arith.addf %add3A_151, %add3A_152 : f32
      %add3A_157 = arith.addf %add3A_153, %add3A_154 : f32
      %add3A_158 = arith.addf %add3A_155, %add3A_156 : f32
      %add3A_159 = arith.addf %add3A_157, %add3A_158 : f32
      %eq3A = vector.broadcast %scan3A_67 : i32 to vector<16xi32>
      %eq3A_160 = arith.cmpi eq, %iota3A, %eq3A : vector<16xi32>
      %add3A_161 = vector.broadcast %add3A_159 : f32 to vector<16xf32>
      %add3A_162 = arith.addf %scan3A_68, %add3A_161 : vector<16xf32>
      %select_n3A = arith.select %eq3A_160, %add3A_162, %scan3A_68 : vector<16xi1>, vector<16xf32>
      scf.yield %select_n3A : vector<16xf32>
    }
    %scan3A_63 = arith.constant 16 : i32
    %swap3A = arith.constant 0 : index
    %swap3A_64 = tpu.vector_load %arg11[%swap3A] {strides = array<i32>} : memref<16xf32, #tpu.memory_space<vmem>>, vector<16xf32>,
    %swap3A_65 = vector.shape_cast %swap3A_64 : vector<16xf32> to vector<16xf32>
    %swap3A_66 = vector.shape_cast %scan3A_62 : vector<16xf32> to vector<16xf32>
    tpu.vector_store %arg11[%swap3A], %swap3A_66 {strides = array<i32>} : memref<16xf32, #tpu.memory_space<vmem>>, vector<16xf32>,
    "tpu.region"() ({
      %run_scoped3A = tpu.sem_alloc : memref<!tpu.dma_semaphore, #tpu.memory_space<semaphore_mem>>
      %dma_start3A_67 = tpu.memref_slice %arg6[%mul3A_0] : memref<128xf32, #tpu.memory_space<hbm>> -> memref<16xf32, #tpu.memory_space<hbm>>
      %dma_start3A_68 = tpu.memref_slice %arg6[%mul3A_0] : memref<128xf32, #tpu.memory_space<hbm>> -> memref<16xf32, #tpu.memory_space<hbm>>
      tpu.enqueue_dma source(%arg11 : memref<16xf32, #tpu.memory_space<vmem>>) target(%dma_start3A_68 : memref<16xf32, #tpu.memory_space<hbm>>) target_semaphore(%run_scoped3A : memref<!tpu.dma_semaphore, #tpu.memory_space<semaphore_mem>>)
      %dma_wait3A_69 = tpu.memref_slice %arg6[%mul3A_0] : memref<128xf32, #tpu.memory_space<hbm>> -> memref<16xf32, #tpu.memory_space<hbm>>
      %dma_wait3A_70 = tpu.memref_slice %arg6[%mul3A_0] : memref<128xf32, #tpu.memory_space<hbm>> -> memref<16xf32, #tpu.memory_space<hbm>>
      tpu.wait_dma2 semaphore(%run_scoped3A : memref<!tpu.dma_semaphore, #tpu.memory_space<semaphore_mem>>) src(%arg11 : memref<16xf32, #tpu.memory_space<vmem>>) dst(%dma_wait3A_70 : memref<16xf32, #tpu.memory_space<hbm>>)
      tpu.yield
    }) : () -> ()
    return
  }
}

</mosaic_0001>

<sc_bundles>
// kernel: kernel.3.cloned.1.call-start
scs
__scs_entry_jumppad:
0x0: {  	(pc) =	sbr.rel $0x88, $3  }
0x1: {  	(tag) =	ssettag $0x0;
	lr =	simm.s32 $0x1  }
0x2: {  	[smem:$0x3F9D] =	sst lr;
	_ =	strace $0xD0000000  }
0x3: {  	_ = 	snop  }
0x4: {  	_ = 	snop  }
0x5: {  	_ = 	snop  }
0x6: {  	_ = 	snop  }
0x7: {  	_ = 	snop  }
__scs_overlays_trampoline_lowered:
0x8: {  	[smem:$0x3FAC] =	sst s0  }
0x9: {  	[smem:$0x3FAD] =	sst s1  }
0xa: {  	[smem:$0x3FAE] =	sst s2  }
0xb: {  	[smem:$0x3FAF] =	sst s3  }
0xc: {  	[smem:$0x3FB0] =	sst s4  }
0xd: {  	[smem:$0x3FB1] =	sst s5  }
0xe: {  	[smem:$0x3FB2] =	sst s6  }
0xf: {  	[smem:$0x3FB3] =	sst s7  }
0x10: {  	[smem:$0x3FB4] =	sst s8  }
0x11: {  	[smem:$0x3FB5] =	sst s9;
	s0 =	simm.s32 @!p0 $0x0  }
0x12: {  	s1 =	sld [smem:$0x3F9B];
	s0 =	simm.s32 @p0 $0x1  }
0x13: {  	[smem:$0x3FB6] =	sst s0;
	s0 =	simm.s32 @!p1 $0x0  }
0x14: {  	s2 =	sld [smem:$0x3F9A];
	s0 =	simm.s32 @p1 $0x1  }
0x15: {  	[smem:$0x3FB7] =	sst s0;
	s0 =	simm.s32 @!p2 $0x0  }
0x16: {  	s3 =	sld [smem:$0x3FDB];
	s0 =	simm.s32 @p2 $0x1  }
0x17: {  	s4 =	simm.s32 $0x1BF5;
	[smem:$0x3FB9] =	sst s0  }
0x18: {  	s0 =	sld [smem:$0x3F9C];
	_ =	swait.ge [sflag:s4], $0x0  }
0x19: {  	s7 =	sld [smem:$0x3F9D]  }
0x1a: {  	s8 =	sadd.s32 $0xFFFFE003, lr  }
0x1b: {  	s9 =	sadd.s32 $0xFFFFFEF7, lr;
	s5 =	simm.s32 $0xFFFFFFFF;
	p2 =	slt.u32 s8, $0xFFFFF086  }
0x1c: {  	p1 =	slt.u32 s9, $0xF7A;
	s5 =	simm.s32 @!p2 $0x0  }
0x1d: {  	s5 =	simm.s32 @p1 $0x1;
	p0 =	seq.s32 s7, s2  }
0x1e: {  	s7 =	smul.u32 @!p0 $0xF7A, s2;
	p2 =	seq.s32 @!p0 s5, $0x0  }
0x1f: {  	s9 =	smul.u32 $0xF7A, s1;
	s8 =	simm.s32 @!p0 $0x1BF5;
	p2 =	por !p2, p0  }
0x20: {  	[sflag:s8] =	ssyncset.s32 @!p0 $0xFFFFF086;
	s6 =	sadd.s32 @!p0 s3, s7;
	s7 =	simm.s32 @!p0 $0x108  }
0x21: {  	s3 =	sadd.s32 s3, s9;
	s6 =	sadd.s32 @!p0 $0x88, s6;
	s7 =	simm.s32 @p2 $0x1082  }
0x22: {  	[simem:s7], [sflag:s8] =	dma.local @!p0 [hbm:s6], $0xF7A  }
0x23: {  	s9 =	sor.u32 $0xD0000000, s2;
	s6 =	simm.s32 $0x108;
	_ =	swait.ge @!p0 [sflag:s8], $0x0  }
0x24: {  	s3 =	sadd.s32 $0x88, s3;
	s6 =	simm.s32 @!p1 $0x1082;
	[sflag:s4] =	ssyncset.s32 $0xFFFFF086  }
0x25: {  	[simem:s6], [sflag:s4] =	dma.local [hbm:s3], $0xF7A  }
0x26: {  	[smem:$0x3F9D] =	sst s1;
	(tag) =	ssettag s2;
	_ =	strace s9  }
0x27: {  	s1 =	sld [smem:$0x3FAD]  }
0x28: {  	s2 =	sld [smem:$0x3FAE]  }
0x29: {  	s4 =	sld [smem:$0x3FB0]  }
0x2a: {  	p0 =	seq.s32 s5, $0x0;
	s5 =	sld [smem:$0x3FB1]  }
0x2b: {  	s6 =	sld [smem:$0x3FB2]  }
0x2c: {  	s7 =	sld [smem:$0x3FB3]  }
0x2d: {  	s3 =	simm.s32 $0x108;
	s8 =	sld [smem:$0x3FB4]  }
0x2e: {  	s3 =	simm.s32 @!p0 $0x1082;
	s9 =	sld [smem:$0x3FB5]  }
0x2f: {  	lr =	sadd.s32 s0, s3;
	s0 =	sld [smem:$0x3FAC]  }
0x30: {  	s3 =	sld [smem:$0x3FAF]  }
0x31: {  	[smem:$0x3FB8] =	sst s10  }
0x32: {  	s10 =	sld [smem:$0x3FB6];
	_ =	sdelay $0x3  }
0x33: {  	p0 =	seq.s32 s10, $0x1;
	s10 =	sld [smem:$0x3FB8];
	_ =	sdelay $0x3  }
0x34: {  	[smem:$0x3FB8] =	sst s10  }
0x35: {  	s10 =	sld [smem:$0x3FB7];
	_ =	sdelay $0x3  }
0x36: {  	p1 =	seq.s32 s10, $0x1;
	s10 =	sld [smem:$0x3FB8];
	_ =	sdelay $0x3  }
0x37: {  	[smem:$0x3FB8] =	sst s10  }
0x38: {  	s10 =	sld [smem:$0x3FB9]  }
0x39: {  	_ = 	snop;
	(pc) =	sbr.ind lr, $3  }
0x3a: {  	_ = 	snop  }
0x3b: {  	_ = 	snop  }
0x3c: {  	p2 =	seq.s32 s10, $0x1;
	s10 =	sld [smem:$0x3FB8]  }
0x3d: {  	_ =	shalt  }
0x3e: {  	_ =	shalt  }
0x3f: {  	_ =	shalt  }
0x40: {  	_ =	shalt  }
0x41: {  	_ =	shalt  }
0x42: {  	_ =	shalt  }
0x43: {  	_ =	shalt  }
0x44: {  	_ =	shalt  }
0x45: {  	_ =	shalt  }
0x46: {  	_ =	shalt  }
0x47: {  	_ =	shalt  }
0x48: {  	_ =	shalt  }
0x49: {  	_ =	shalt  }
0x4a: {  	_ =	shalt  }
0x4b: {  	_ =	shalt  }
0x4c: {  	_ =	shalt  }
0x4d: {  	_ =	shalt  }
0x4e: {  	_ =	shalt  }
0x4f: {  	_ =	shalt  }
0x50: {  	_ =	shalt  }
0x51: {  	_ =	shalt  }
0x52: {  	_ =	shalt  }
0x53: {  	_ =	shalt  }
0x54: {  	_ =	shalt  }
0x55: {  	_ =	shalt  }
0x56: {  	_ =	shalt  }
0x57: {  	_ =	shalt  }
0x58: {  	_ =	shalt  }
0x59: {  	_ =	shalt  }
0x5a: {  	_ =	shalt  }
0x5b: {  	_ =	shalt  }
0x5c: {  	_ =	shalt  }
0x5d: {  	_ =	shalt  }
0x5e: {  	_ =	shalt  }
0x5f: {  	_ =	shalt  }
0x60: {  	_ =	shalt  }
0x61: {  	_ =	shalt  }
0x62: {  	_ =	shalt  }
0x63: {  	_ =	shalt  }
0x64: {  	_ =	shalt  }
0x65: {  	_ =	shalt  }
0x66: {  	_ =	shalt  }
0x67: {  	_ =	shalt  }
0x68: {  	_ =	shalt  }
0x69: {  	_ =	shalt  }
0x6a: {  	_ =	shalt  }
0x6b: {  	_ =	shalt  }
0x6c: {  	_ =	shalt  }
0x6d: {  	_ =	shalt  }
0x6e: {  	_ =	shalt  }
0x6f: {  	_ =	shalt  }
0x70: {  	_ =	shalt  }
0x71: {  	_ =	shalt  }
0x72: {  	_ =	shalt  }
0x73: {  	_ =	shalt  }
0x74: {  	_ =	shalt  }
0x75: {  	_ =	shalt  }
0x76: {  	_ =	shalt  }
0x77: {  	_ =	shalt  }
0x78: {  	_ =	shalt  }
0x79: {  	_ =	shalt  }
0x7a: {  	_ =	shalt  }
0x7b: {  	_ =	shalt  }
0x7c: {  	_ =	shalt  }
0x7d: {  	_ =	shalt  }
0x7e: {  	_ =	shalt  }
0x7f: {  	_ =	shalt  }
0x80: {  	_ =	shalt  }
0x81: {  	_ =	shalt  }
0x82: {  	_ =	shalt  }
0x83: {  	_ =	shalt  }
0x84: {  	_ =	shalt  }
0x85: {  	_ =	shalt  }
0x86: {  	_ =	shalt  }
0x87: {  	_ =	shalt  }
.Lfunc_end0:
.L_simem_size_0:
called_computation_lowered:
.L_overlay_start_0:
0x88: {  	s0 =	sld [smem:$0x3FD9]  }
0x89: {  	s1 =	sld [smem:$0x3FFE];
	_ =	sdelay $0x3  }
0x8a: {  	s0 =	sadd.s32 s1, s0  }
0x8b: {  	[smem:$0x3FC4] =	sst s0  }
0x8c: {  	_ = 	snop  }
0x8d: {  	s0 =	sld [smem:$0x3FC9]  }
0x8e: {  	s17 =	sld [smem:$0x3FC8]  }
0x8f: {  	s2 =	sld [smem:$0x3FC7]  }
0x90: {  	s3 =	sld [smem:$0x3FC6]  }
0x91: {  	s4 =	sld [smem:$0x3FD0];
	(tm) =	ssettm $0x1  }
0x92: {  	s5 =	sld [smem:$0x3FFB];
	_ =	sdelay $0x3  }
0x93: {  	_ =	strace s5  }
0x94: {  	s5 =	sld [smem:$0x3FFC];
	_ =	sdelay $0x3  }
0x95: {  	_ =	strace s5  }
0x96: {  	s5 =	sld [smem:$0x3FFD];
	_ =	sdelay $0x3  }
0x97: {  	_ =	strace s5  }
0x98: {  	_ =	strace $0x8FFFFFFF  }
0x99: {  	s18 =	sld [smem:$0x3FDB];
	_ =	sdelay $0x1  }
0x9a: {  	s6 =	simm.s32 $_scs_section_size  }
0x9b: {  	s7 =	simm.s32 $_size__tile_overlayer_lowered;
	s8 =	simm.s32 $_tile_overlayer_lowered  }
0x9c: {  	s21 =	simm.s32 $0x1BFF;
	s20 =	sshll.u32 s8, $0x1;
	s5 =	sadd.s32 s6, s18  }
0x9d: {  	s9 =	simm.s32 $0x0;
	s19 =	sshll.u32 s7, $0x1;
	s7 =	sadd.s32 s20, s5  }
0x9e: {  	[timem:s9], [sflag:s21] =	dma.local [hbm:s7], s19  }
0x9f: {  	_ =	swait.ge [sflag:s21], s19  }
0xa0: {  	s6 =	ssub.s32 $0x0, s19;
	[sflag:s21] =	ssyncset.done $0x0  }
0xa1: {  	[sflag:s21] =	ssyncadd.s32 s6;
	_ =	sdelay $0x1  }
0xa2: {  	s22 =	simm.s32 $0x1B8B  }
0xa3: {  	_ =	swait.ge [sflag:s22], $0x1  }
0xa4: {  	[sflag:s22] =	ssyncset.done $0x0  }
0xa5: {  	s23 =	simm.s32 $0x1B8E;
	[sflag:s22] =	ssyncadd.s32 $0xFFFFFFFF  }
0xa6: {  	s24 =	simm.s32 $execute0_lowered;
	[smem:$0x3FD2] =	sst s23  }
0xa7: {  	s6 =	sshll.u32 s24, $0x1;
	_ =	strace $0x80000046;
	[dreg:$0x1] =	wrdreg $0xFFFFFFFF  }
0xa8: {  	s25 =	simm.s32 $_size_execute0_lowered;
	s5 =	sadd.s32 s5, s6;
	[dreg:$0x0] =	wrdreg $0x0  }
0xa9: {  	s6 =	sshll.u32 s25, $0x1;
	[dreg:$0x2] =	wrdreg s5  }
0xaa: {  	[dreg:$0x3] =	wrdreg s6  }
0xab: {  	[dreg:$0x4] =	wrdreg $0xC0  }
0xac: {  	_ =	task [dreg:s9], $0x5FFFF  }
0xad: {  	[dreg:$0x1] =	wrdreg $0xFFFFFFFF  }
0xae: {  	[dreg:$0x0] =	wrdreg $0x60  }
0xaf: {  	[dreg:$0x2] =	wrdreg s0  }
0xb0: {  	[dreg:$0x3] =	wrdreg s17  }
0xb1: {  	[dreg:$0x4] =	wrdreg s2  }
0xb2: {  	[dreg:$0x5] =	wrdreg s3  }
0xb3: {  	[dreg:$0x6] =	wrdreg s4  }
0xb4: {  	[dreg:$0x7] =	wrdreg $0x9  }
0xb5: {  	_ =	task.clear_ibuf [dreg:s9], $0x8FFFF;
	_ =	strace $0x90000046  }
0xb6: {  	s26 =	simm.s32 $0x9;
	_ =	strace $0x80000048  }
0xb7: {  	_ =	swait.ge [sflag:s26], $0x1  }
0xb8: {  	[sflag:s26] =	ssyncadd.s32 $0xFFFFFFFF  }
0xb9: {  	_ =	strace $0x90000048  }
0xba: {  	_ =	sfence  }
0xbb: {  	s28 =	sld [smem:$0x0];
	_ =	sdelay $0x1  }
0xbc: {  	s29 =	srdreg.scid  }
0xbd: {  	s30 =	sshll.u32 s29, $0xD;
	s31 =	sshrl.u32 s29, $0x2  }
0xbe: {  	s1 =	sand.u32 $0x1, s29;
	s2 =	sand.u32 $0x4000, s30;
	s0 =	sadd.s32 s31, s28  }
0xbf: {  	s1 =	sor.u32 s2, s1;
	s0 =	sshll.u32 s0, $0x11  }
0xc0: {  	s0 =	sor.u32 s0, s1  }
0xc1: {  	s0 =	sadd.s32 $0x8F2B, s0  }
0xc2: {  	[sflag:s0] =	ssyncadd.remote.s32 $0x1  }
0xc3: {  	_ =	sfence.sel $0xFFFF  }
0xc4: {  	[dreg:$0x0] =	wrdreg $0xFFFFFFFF;
	(pc) =	sbr.abs _section_cstart, $3  }
0xc5: {  	[dreg:$0x1] =	wrdreg $0xFFFFFFFF  }
0xc6: {  	_ =	task.clear_ibuf [dreg:s9], $0x2FFFF;
	_ =	strace $0x9FFFFFFF  }
0xc7: {  	(tm) =	ssettm $0x7FFFFFFF  }
tec
execute0_lowered:
.L_overlay_start_1:
0x0: {  	(tag) =	ssettag $0x1  }
0x1: {  	s6 =	rddreg [dreg:$0x0];
	s1 =	stileid.u32  }
0x2: {  	s5 =	rddreg [dreg:$0x1];
	p0 =	sgt.u32 s1, $0x7  }
.Ltmp0:
0x3: {  	s4 =	rddreg [dreg:$0x2];
	(pc) =	sbr.rel @p0 .LBB2_4-.Ltmp0, $4  }
0x4: {  	s7 =	rddreg [dreg:$0x3]  }
0x5: {  	s3 =	rddreg [dreg:$0x4];
	s2 =	simm.s32 $0x0  }
0x6: {  	[smem:$0x7FF] =	sst s2  }
0x7: {  	s0 =	rddreg [dreg:$0x5];
	_ =	strace $0x80000047  }
0x8: {  	s8 =	sshll.u32 s1, $0x8  }
0x9: {  	s17 =	sshll.u32 s1, $0x1;
	s9 =	simm.s32 $0x100;
	s8 =	sadd.s32 s4, s8  }
0xa: {  	[tilespmem:s9], [sflag:$0x1] =	stream.linear.gather [hbm4b:s8+s2], $0x800, $0x38;
	[tilespmem:$0xA00] =	vst v63  }
0xb: {  	s18 =	simm.s32 $0x900;
	s7 =	sadd.s32 s7, s17  }
0xc: {  	[tilespmem:s18], [sflag:$0x1] =	stream.linear.gather [hbm4b:s7+s2], $0x10, $0x38;
	[tilespmem:$0xA00] =	vst v63  }
0xd: {  	s19 =	simm.s32 $0x2  }
0xe: {  	[tilespmem:s2], [sflag:$0x2] =	stream.linear.gather [hbm4b:s6+s2], $0x80, $0x38;
	[tilespmem:$0xA00] =	vst v63  }
0xf: {  	_ =	swait.ge [sflag:s19], $0x80  }
0x10: {  	[sflag:s19] =	ssyncset.done $0x0  }
0x11: {  	s20 =	simm.s32 $0x1;
	s21 =	simm.s32 $0x80;
	[sflag:s19] =	ssyncadd.s32 $0xFFFFFF80  }
0x12: {  	[tilespmem:s21], [sflag:$0x1] =	stream.indirect.gather [hbm4b:s5+s20], $0x80, s2, s20, $0xb8;
	[tilespmem:$0xA00] =	vst v63  }
0x13: {  	_ =	swait.ge [sflag:s20], $0x800  }
0x14: {  	[sflag:s20] =	ssyncset.done $0x0  }
0x15: {  	[sflag:s20] =	ssyncadd.s32 $0xFFFFF800  }
0x16: {  	_ =	swait.ge [sflag:s20], $0x10  }
0x17: {  	[sflag:s20] =	ssyncset.done $0x0  }
0x18: {  	[sflag:s20] =	ssyncadd.s32 $0xFFFFFFF0  }
0x19: {  	_ =	swait.ge [sflag:s20], $0x80  }
0x1a: {  	[sflag:s20] =	ssyncset.done $0x0  }
0x1b: {  	[sflag:s20] =	ssyncadd.s32 $0xFFFFFF80  }
0x1c: {  	v0 =	vld [tilespmem:$0x80]  }
0x1d: {  	s22 =	simm.s32 $0x140;
	v1 =	vld [tilespmem:$0x90]  }
0x1e: {  	v4 =	vld [tilespmem:s22+$0xFFFFFFC0]  }
0x1f: {  	v6 =	vld [tilespmem:s22+$0xFFFFFFD0]  }
0x20: {  	v2 =	vld [tilespmem:$0xA0]  }
0x21: {  	v7 =	vld [tilespmem:s22+$0xFFFFFFE0]  }
0x22: {  	v3 =	vld [tilespmem:$0xB0]  }
0x23: {  	v8 =	vld [tilespmem:s22+$0xFFFFFFF0]  }
0x24: {  	v5 =	vld [tilespmem:$0xC0];
	v4 =	vmul.f32 v4, v0;
	v9 =	vmul.f32 v6, v1  }
0x25: {  	v10 =	vld [tilespmem:s22+$0x0]  }
0x26: {  	v11 =	vld [tilespmem:s22+$0x10];
	v7 =	vmul.f32 v7, v2;
	v4 =	vadd.f32 v9, v4  }
0x27: {  	v6 =	vld [tilespmem:$0xD0]  }
0x28: {  	v12 =	vld [tilespmem:s22+$0x20];
	v8 =	vmul.f32 v8, v3;
	v4 =	vadd.f32 v7, v4  }
0x29: {  	v9 =	vld [tilespmem:$0xE0]  }
0x2a: {  	v7 =	vld [tilespmem:$0xF0];
	v4 =	vadd.f32 v8, v4;
	v8 =	vmul.f32 v10, v5  }
0x2b: {  	v10 =	vld [tilespmem:s22+$0x30]  }
0x2c: {  	v4 =	vadd.f32 v8, v4;
	v8 =	vmul.f32 v11, v6;
	_ =	sdelay $0x1  }
0x2d: {  	s23 =	simm.s32 $0x1C0;
	v4 =	vadd.f32 v8, v4;
	v8 =	vmul.f32 v12, v9  }
0x2e: {  	v11 =	vld [tilespmem:s23+$0xFFFFFFC0]  }
0x2f: {  	v12 =	vld [tilespmem:s23+$0xFFFFFFD0];
	v4 =	vadd.f32 v8, v4;
	v8 =	vmul.f32 v10, v7;
	_ =	sdelay $0x1  }
0x30: {  	v10 =	vld [tilespmem:s23+$0xFFFFFFE0];
	v4 =	vadd.f32 v8, v4;
	_ =	sdelay $0x1  }
0x31: {  	v8 =	vld [tilespmem:s23+$0xFFFFFFF0];
	(v2sf) =	vpush v4, $0x3  }
0x32: {  	v11 =	vmul.f32 v11, v0;
	v12 =	vmul.f32 v12, v1;
	(v2sf) =	vpush v4, $0xF  }
0x33: {  	v13 =	vld [tilespmem:s23+$0x0];
	(v2sf) =	vpush v4, $0xE  }
0x34: {  	v11 =	vadd.f32 v12, v11;
	v10 =	vmul.f32 v10, v2;
	(v2sf) =	vpush v4, $0x9  }
0x35: {  	v12 =	vld [tilespmem:s23+$0x10];
	(v2sf) =	vpush v4, $0xD  }
0x36: {  	v10 =	vadd.f32 v10, v11;
	v8 =	vmul.f32 v8, v3;
	(v2sf) =	vpush v4, $0xB  }
0x37: {  	v11 =	vld [tilespmem:s23+$0x20];
	(v2sf) =	vpush v4, $0xC  }
0x38: {  	v8 =	vadd.f32 v8, v10;
	v10 =	vmul.f32 v13, v5;
	(v2sf) =	vpush v4, $0xA  }
0x39: {  	v13 =	vld [tilespmem:s23+$0x30];
	(v2sf) =	vpush v4, $0x8  }
0x3a: {  	v8 =	vadd.f32 v10, v8;
	v10 =	vmul.f32 v12, v6;
	(v2sf) =	vpush v4, $0x2  }
0x3b: {  	s24 =	simm.s32 $0x240;
	(v2sf) =	vpush v4, $0x7  }
0x3c: {  	v12 =	vld [tilespmem:s24+$0xFFFFFFD0];
	v8 =	vadd.f32 v10, v8;
	v10 =	vmul.f32 v11, v9;
	(v2sf) =	vpush v4, $0x0  }
0x3d: {  	v11 =	vld [tilespmem:s24+$0xFFFFFFC0];
	(v2sf) =	vpush v4, $0x6  }
0x3e: {  	v8 =	vadd.f32 v10, v8;
	v10 =	vmul.f32 v13, v7  }
0x3f: {  	v13 =	vld [tilespmem:s24+$0xFFFFFFE0];
	(v2sf) =	vpush v4, $0x5  }
0x40: {  	v10 =	vadd.f32 v10, v8;
	(v2sf) =	vpush v4, $0x4;
	s10 =	spop (v2sf)  }
0x41: {  	(v2sf) =	vpush v4, $0x1;
	v4 =	vld [tilespmem:s24+$0xFFFFFFF0];
	s25 =	spop (v2sf)  }
0x42: {  	v8 =	vmul.f32 v11, v0;
	v11 =	vmul.f32 v12, v1;
	(v2sf) =	vpush v10, $0x3;
	s26 =	spop (v2sf)  }
0x43: {  	v12 =	vld [tilespmem:s24+$0x0];
	(v2sf) =	vpush v10, $0xF;
	s11 =	spop (v2sf)  }
0x44: {  	v8 =	vadd.f32 v11, v8;
	v11 =	vmul.f32 v13, v2;
	(v2sf) =	vpush v10, $0xE;
	s28 =	spop (v2sf)  }
0x45: {  	v13 =	vld [tilespmem:s24+$0x10];
	(v2sf) =	vpush v10, $0x9;
	s12 =	spop (v2sf)  }
0x46: {  	v8 =	vadd.f32 v11, v8;
	(v2sf) =	vpush v10, $0xD;
	v4 =	vmul.f32 v4, v3;
	s13 =	spop (v2sf)  }
0x47: {  	v14 =	vld [tilespmem:s24+$0x20];
	s7 =	sadd.f32 s25, s26;
	(v2sf) =	vpush v10, $0xB;
	s29 =	spop (v2sf)  }
0x48: {  	s3 =	sadd.s32 s3, s17;
	s9 =	sadd.f32 s28, s13;
	(v2sf) =	vpush v10, $0xC;
	v4 =	vadd.f32 v4, v8;
	v8 =	vmul.f32 v12, v5;
	s30 =	spop (v2sf)  }
0x49: {  	s4 =	simm.s32 $0x1;
	s31 =	sadd.f32 s12, s29;
	(v2sf) =	vpush v10, $0xA;
	s14 =	spop (v2sf)  }
0x4a: {  	s8 =	simm.s32 $0x2C0;
	v11 =	vld [tilespmem:s24+$0x30];
	v13 =	vmul.f32 v13, v6;
	s15 =	sadd.f32 s11, s30;
	v12 =	vadd.f32 v8, v4;
	(v2sf) =	vpush v10, $0x8;
	s12 =	spop (v2sf)  }
0x4b: {  	s6 =	simm.s32 $0x3;
	v4 =	vlaneseq.u32;
	s11 =	sadd.f32 s10, s14;
	(v2sf) =	vpush v10, $0x2;
	s14 =	spop (v2sf)  }
0x4c: {  	s5 =	simm.s32 $0x2;
	v8 =	vld [tilespmem:$0x900];
	s10 =	sadd.f32 s31, s15;
	v12 =	vadd.f32 v13, v12;
	v13 =	vmul.f32 v14, v9;
	(v2sf) =	vpush v10, $0x7;
	s13 =	spop (v2sf)  }
.LBB2_2:
0x4d: {  	p0 =	sne.s32 s6, $0xF  }
0x4e: {  	v14 =	vld [tilespmem:s8+$0xFFFFFFC0];
	(v2sf) =	vpush v10, $0x0;
	s15 =	sadd.f32 s12, s13;
	s13 =	spop (v2sf);
	s12 =	smov.u32 s6  }
0x4f: {  	s6 =	sadd.s32 $0x1, s6;
	s7 =	sadd.f32 s7, s9;
	v15 =	vld [tilespmem:s8+$0xFFFFFFD0];
	v12 =	vadd.f32 v13, v12;
	v11 =	vmul.f32 v11, v7;
	(v2sf) =	vpush v10, $0x6;
	s9 =	spop (v2sf)  }
0x50: {  	(v2sf) =	vpush v10, $0x5;
	s9 =	sadd.f32 s13, s9;
	s16 =	spop (v2sf)  }
0x51: {  	v13 =	vld [tilespmem:s8+$0xFFFFFFE0];
	v11 =	vadd.f32 v11, v12;
	s13 =	spop (v2sf);
	(v2sf) =	vpush v10, $0x4;
	s14 =	sadd.f32 s16, s14  }
0x52: {  	(v2sf) =	vpush v10, $0x1;
	s16 =	spop (v2sf);
	s9 =	sadd.f32 s15, s9  }
0x53: {  	v12 =	vmul.f32 v14, v0;
	v14 =	vld [tilespmem:s8+$0xFFFFFFF0];
	(v2sf) =	vpush v11, $0x3;
	s15 =	spop (v2sf);
	s11 =	sadd.f32 s11, s14;
	v10 =	vmov v11  }
0x54: {  	s10 =	sadd.f32 s7, s10;
	v11 =	vmul.f32 v15, v1;
	(v2sf) =	vpush v10, $0xF;
	s14 =	spop (v2sf)  }
0x55: {  	v15 =	vld [tilespmem:s8+$0x0];
	(v2sf) =	vpush v10, $0xE;
	s17 =	spop (v2sf);
	s9 =	sadd.f32 s9, s11  }
0x56: {  	s7 =	sadd.f32 s16, s15;
	v11 =	vadd.f32 v11, v12;
	v12 =	vmul.f32 v13, v2;
	(v2sf) =	vpush v10, $0x9;
	s11 =	spop (v2sf)  }
0x57: {  	v13 =	vld [tilespmem:s8+$0x10];
	(v2sf) =	vpush v10, $0xD;
	s15 =	spop (v2sf);
	s10 =	sadd.f32 s10, s9  }
0x58: {  	v11 =	vadd.f32 v12, v11;
	v12 =	vmul.f32 v14, v3;
	(v2sf) =	vpush v10, $0xB;
	s9 =	sadd.f32 s17, s15  }
0x59: {  	s15 =	spop (v2sf)  }
0x5a: {  	v16 =	vmov s2;
	s2 =	smov.u32 s4;
	s4 =	smov.u32 s5;
	v14 =	vld [tilespmem:s8+$0x20];
	(v2sf) =	vpush v10, $0xC;
	v17 =	vadd.f32 s10, v8;
	s10 =	sadd.f32 s11, s15  }
.Ltmp1:
0x5b: {  	vm0 =	veq.s32 v16, v4;
	v12 =	vadd.f32 v12, v11;
	v15 =	vmul.f32 v15, v5;
	s5 =	spop (v2sf);
	(pc) =	sbr.rel @p0 .LBB2_2-.Ltmp1, $4  }
0x5c: {  	v11 =	vld [tilespmem:s8+$0x30];
	(v2sf) =	vpush v10, $0xA;
	s14 =	sadd.f32 s14, s5;
	s11 =	spop (v2sf);
	v8 =	vsel vm0, v17, v8;
	s5 =	smov.u32 s12  }
0x5d: {  	v12 =	vadd.f32 v15, v12;
	v13 =	vmul.f32 v13, v6;
	(v2sf) =	vpush v10, $0x8;
	s11 =	sadd.f32 s13, s11;
	s12 =	spop (v2sf)  }
0x5e: {  	(v2sf) =	vpush v10, $0x2;
	s10 =	sadd.f32 s10, s14;
	s14 =	spop (v2sf)  }
0x5f: {  	s8 =	sadd.s32 $0x80, s8;
	v12 =	vadd.f32 v13, v12;
	v13 =	vmul.f32 v14, v9;
	(v2sf) =	vpush v10, $0x7;
	s13 =	spop (v2sf)  }
0x60: {  	(v2sf) =	vpush v10, $0x0  }
0x61: {  	s6 =	spop (v2sf);
	v0 =	vadd.f32 v13, v12;
	v1 =	vmul.f32 v11, v7;
	(v2sf) =	vpush v10, $0x6  }
0x62: {  	s8 =	spop (v2sf);
	(v2sf) =	vpush v10, $0x5  }
0x63: {  	s12 =	sadd.f32 s12, s13;
	s25 =	spop (v2sf);
	v0 =	vadd.f32 v1, v0;
	(v2sf) =	vpush v10, $0x4  }
0x64: {  	s7 =	sadd.f32 s7, s9;
	s26 =	spop (v2sf);
	(v2sf) =	vpush v10, $0x1  }
0x65: {  	s6 =	sadd.f32 s6, s8;
	s28 =	spop (v2sf);
	(v2sf) =	vpush v0, $0x3  }
0x66: {  	s13 =	sadd.f32 s25, s14;
	s29 =	spop (v2sf);
	(v2sf) =	vpush v0, $0xF  }
0x67: {  	s6 =	sadd.f32 s12, s6;
	s30 =	spop (v2sf);
	(v2sf) =	vpush v0, $0xE  }
0x68: {  	s11 =	sadd.f32 s11, s13;
	s31 =	spop (v2sf);
	(v2sf) =	vpush v0, $0x9  }
0x69: {  	s7 =	sadd.f32 s7, s10;
	s15 =	spop (v2sf);
	(v2sf) =	vpush v0, $0xD  }
0x6a: {  	s6 =	sadd.f32 s6, s11;
	s16 =	spop (v2sf);
	(v2sf) =	vpush v0, $0xB  }
0x6b: {  	s8 =	sadd.f32 s28, s29;
	(v2sf) =	vpush v0, $0xC;
	s17 =	spop (v2sf)  }
0x6c: {  	s6 =	sadd.f32 s7, s6;
	s18 =	spop (v2sf);
	(v2sf) =	vpush v0, $0xA  }
0x6d: {  	s11 =	sadd.f32 s31, s16;
	s19 =	spop (v2sf);
	(v2sf) =	vpush v0, $0x8  }
0x6e: {  	s10 =	sadd.f32 s15, s17;
	s20 =	spop (v2sf);
	(v2sf) =	vpush v0, $0x2  }
0x6f: {  	s8 =	sadd.f32 s8, s11;
	s21 =	spop (v2sf);
	(v2sf) =	vpush v0, $0x7  }
0x70: {  	s7 =	sadd.f32 s30, s18;
	s22 =	spop (v2sf);
	(v2sf) =	vpush v0, $0x0  }
0x71: {  	s9 =	sadd.f32 s26, s19;
	s23 =	spop (v2sf);
	(v2sf) =	vpush v0, $0x6  }
0x72: {  	s7 =	sadd.f32 s10, s7;
	s24 =	spop (v2sf);
	(v2sf) =	vpush v0, $0x5  }
0x73: {  	s13 =	sadd.f32 s20, s22;
	s25 =	spop (v2sf);
	(v2sf) =	vpush v0, $0x4  }
0x74: {  	s10 =	sadd.f32 s23, s24;
	s26 =	spop (v2sf);
	(v2sf) =	vpush v0, $0x1  }
0x75: {  	s11 =	sadd.f32 s25, s21;
	s28 =	spop (v2sf)  }
0x76: {  	s10 =	sadd.f32 s13, s10;
	s29 =	spop (v2sf)  }
0x77: {  	s9 =	sadd.f32 s9, s11;
	s30 =	spop (v2sf)  }
0x78: {  	s7 =	sadd.f32 s8, s7;
	s31 =	spop (v2sf)  }
0x79: {  	s9 =	sadd.f32 s10, s9;
	s15 =	spop (v2sf)  }
0x7a: {  	s12 =	sadd.f32 s28, s29;
	s16 =	spop (v2sf)  }
0x7b: {  	s7 =	sadd.f32 s7, s9;
	s17 =	spop (v2sf)  }
0x7c: {  	s8 =	sadd.f32 s31, s16;
	s18 =	spop (v2sf)  }
0x7d: {  	s9 =	sadd.f32 s15, s17;
	s19 =	spop (v2sf)  }
0x7e: {  	s11 =	sadd.f32 s30, s18;
	s20 =	spop (v2sf)  }
0x7f: {  	s8 =	sadd.f32 s12, s8;
	s21 =	spop (v2sf)  }
0x80: {  	s10 =	sadd.f32 s26, s19;
	s22 =	spop (v2sf)  }
0x81: {  	s9 =	sadd.f32 s9, s11;
	s23 =	spop (v2sf)  }
0x82: {  	s11 =	sadd.f32 s20, s22;
	s24 =	spop (v2sf)  }
0x83: {  	s12 =	sadd.f32 s23, s24;
	s25 =	spop (v2sf)  }
0x84: {  	s13 =	sadd.f32 s25, s21  }
0x85: {  	s11 =	sadd.f32 s11, s12  }
0x86: {  	v60 =	vmov s2;
	v61 =	vadd.f32 s6, v8;
	s26 =	sadd.f32 s10, s13  }
0x87: {  	vm0 =	veq.s32 v60, v4;
	s28 =	sadd.f32 s8, s9  }
0x88: {  	v0 =	vsel vm0, v61, v8;
	s2 =	sadd.f32 s11, s26  }
0x89: {  	v62 =	vmov s4;
	v2 =	vadd.f32 s7, v0  }
0x8a: {  	vm14 =	veq.s32 v62, v4;
	s2 =	sadd.f32 s28, s2  }
0x8b: {  	v0 =	vsel vm14, v2, v0  }
0x8c: {  	v63 =	vmov s5;
	v2 =	vadd.f32 s2, v0  }
0x8d: {  	vm15 =	veq.s32 v63, v4  }
0x8e: {  	v0 =	vsel vm15, v2, v0  }
0x8f: {  	s29 =	simm.s32 $0x0;
	s31 =	simm.s32 $0x2;
	s30 =	simm.s32 $0x980;
	[tilespmem:$0x980] =	vst v0  }
0x90: {  	[hbm4b:s3+s29] =	stream.linear.scatter [tilespmem:s30], [sflag:$0x2], $0x10, $0x38;
	[tilespmem:$0xA00] =	vst v63  }
0x91: {  	_ =	swait.ge [sflag:s31], $0x10  }
0x92: {  	[sflag:s31] =	ssyncset.done $0x0  }
0x93: {  	[sflag:s31] =	ssyncadd.s32 $0xFFFFFFF0  }
.LBB2_4:
0x94: {  	_ =	sfence.sel $0x180000  }
0x95: {  	[bflag:$0x0] =	sbarrier.arrive $0xFFFF  }
0x96: {  	p0 =	sne.s32 s1, $0x0;
	_ =	strace $0x90000047  }
0x97: {  	s0 =	sadd.s32 @!p0 $0x100000, s0;
	[bflag:$0x2] =	sbarrier.arrive $0xFFFF  }
0x98: {  	[sflag:s0] =	ssyncadd.tile.s32 @!p0 $0x1;
	_ =	shalt  }
.Lfunc_end2:
_tile_overlayer_lowered:
.L_overlay_start_2:
0x99: {  	(tag) =	ssettag $0x2  }
0x9a: {  	s0 =	rddreg [dreg:$0x0];
	s2 =	stileid.u32  }
0x9b: {  	s1 =	rddreg [dreg:$0x1];
	p0 =	sne.s32 s2, $0x0  }
0x9c: {  	s3 =	rddreg [dreg:$0x2];
	[bflag:$0x3] =	sbarrier.arrive $0xFFFF;
	s2 =	simm.s32 @!p0 $0x1C02  }
0x9d: {  	[timem:s3], [sflag:s2] =	dma.local @!p0 [hbm:s0], s1  }
0x9e: {  	s0 =	simm.s32 @!p0 $0x2  }
0x9f: {  	_ =	swait.ge @!p0 [sflag:s0], s1  }
0xa0: {  	s1 =	ssub.s32 @!p0 $0x0, s1;
	[sflag:s0] =	ssyncset.done @!p0 $0x0  }
0xa1: {  	[sflag:s0] =	ssyncadd.s32 @!p0 s1  }
0xa2: {  	[bflag:$0x3] =	sbarrier.arrive $0xFFFF  }
0xa3: {  	_ =	shalt  }

</sc_bundles>
